<compile_context>
chip_gen: v7x
topology: tpu7x:2x2x1
jax: 0.10.2.dev20260603
libtpu: 0.0.44.dev20260713+nightly
codegen_flags: <defaults>
</compile_context>

<pallas_src>
import functools

import jax
import jax.numpy as jnp
from jax import lax
from jax.experimental import pallas as pl
from jax.experimental.pallas import tpu as pltpu
from jax.experimental.pallas import tpu_sc as plsc

_NUM_WORKERS = 32
_CHUNK = 128


def _sc_gather_concat(fans_table, avgrating_table, fidx, aidx):
    b = fidx.shape[0] * fidx.shape[1] * fidx.shape[2]
    d = fans_table.shape[1]
    bpw = b // _NUM_WORKERS
    nch = bpw // _CHUNK
    mesh = plsc.VectorSubcoreMesh(core_axis_name="c", subcore_axis_name="s")

    @functools.partial(
        pl.kernel,
        mesh=mesh,
        compiler_params=pltpu.CompilerParams(use_tc_tiling_on_sc=False),
        out_type=jax.ShapeDtypeStruct((b, 2 * d), jnp.float32),
        scratch_types=[
            pltpu.VMEM((nch, _CHUNK), jnp.int32),
            pltpu.VMEM((nch, _CHUNK), jnp.int32),
            pltpu.VMEM((bpw, d), jnp.float32),
            pltpu.VMEM((bpw, d), jnp.float32),
            pltpu.SemaphoreType.DMA,
        ],
    )
    def k(fans_hbm, avg_hbm, fidx_hbm, aidx_hbm, out_hbm,
          fidx_v, aidx_v, frows, arows, sem):
        wid = lax.axis_index("s") * 2 + lax.axis_index("c")
        base = wid * bpw
        pltpu.sync_copy(fidx_hbm.at[wid], fidx_v)
        pltpu.sync_copy(aidx_hbm.at[wid], aidx_v)
        copies = []
        for t in range(nch):
            sl = pl.ds(t * _CHUNK, _CHUNK)
            copies.append(
                pltpu.async_copy(fans_hbm.at[fidx_v.at[t]], frows.at[sl], sem))
            copies.append(
                pltpu.async_copy(avg_hbm.at[aidx_v.at[t]], arows.at[sl], sem))
        for c in copies:
            c.wait()
        pltpu.sync_copy(frows, out_hbm.at[pl.ds(base, bpw), pl.ds(0, d)])
        pltpu.sync_copy(arows, out_hbm.at[pl.ds(base, bpw), pl.ds(d, d)])

    return k(fans_table, avgrating_table, fidx, aidx)


def kernel(user_fea, fans_table, avgrating_table):
    b = user_fea.shape[0]
    d = fans_table.shape[1]
    bpw = b // _NUM_WORKERS
    nch = bpw // _CHUNK
    fidx = user_fea[:, 1].astype(jnp.int32).reshape(_NUM_WORKERS, nch, _CHUNK)
    aidx = user_fea[:, 2].astype(jnp.int32).reshape(_NUM_WORKERS, nch, _CHUNK)
    return _sc_gather_concat(fans_table, avgrating_table, fidx, aidx)

# --- scband reference (transcript-rebuilt; emitter-appended) ---
"""Pipeline reference for scband-user-embedding-yp-attribute-23527830848130 (READ-ONLY COPY).

The authoritative reference and input builder live on the scoring server;
editing this copy changes nothing except your own understanding.
"""

import jax, jax.numpy as jnp
import numpy as np

NUM_FANS = 100000
NUM_AVGRATING = 100000
EMBED_DIM = 32
BATCH = 16384

def setup_inputs(seed: int = 0) -> dict:
    key = jax.random.key(seed)
    k1, k2, k3 = jax.random.split(key, 3)
    user_fea = jax.random.randint(k1, (BATCH, 5), 0, NUM_FANS, dtype=jnp.int64) if jax.config.read('jax_enable_x64') else jax.random.randint(k1, (BATCH, 5), 0, NUM_FANS, dtype=jnp.int32)
    fans_table = jax.random.normal(k2, (NUM_FANS, EMBED_DIM), dtype=jnp.float32)
    avgrating_table = jax.random.normal(k3, (NUM_AVGRATING, EMBED_DIM), dtype=jnp.float32)
    return {"user_fea": user_fea, "fans_table": fans_table, "avgrating_table": avgrating_table}

def reference(user_fea, fans_table, avgrating_table):
    fans_idx = user_fea[:, 1]
    avgrating_idx = user_fea[:, 2]
    fans_emb = jnp.take(fans_table, fans_idx, axis=0)
    avgrating_emb = jnp.take(avgrating_table, avgrating_idx, axis=0)
    return jnp.concatenate((fans_emb, avgrating_emb), axis=1)

if __name__ == "__main__":
    import jax
    _d = setup_inputs()
    print(jax.jit(kernel)(*tuple(_d.values())))

</pallas_src>

<mosaic_0001>
#map = affine_map<(d0, d1) -> (0, 0)>
#map1 = affine_map<(d0, d1) -> (0, 0, 0)>
module attributes {stable_mosaic.version = 14 : i64} {
  func.func @k(%arg0: i32, %arg1: i32, %arg2: memref<100000x32xf32, #tpu.memory_space<hbm>>, %arg3: memref<100000x32xf32, #tpu.memory_space<hbm>>, %arg4: memref<32x4x128xi32, #tpu.memory_space<hbm>>, %arg5: memref<32x4x128xi32, #tpu.memory_space<hbm>>, %arg6: memref<16384x64xf32, #tpu.memory_space<hbm>>, %arg7: memref<4x128xi32, #tpu.memory_space<vmem>>, %arg8: memref<4x128xi32, #tpu.memory_space<vmem>>, %arg9: memref<512x32xf32, #tpu.memory_space<vmem>>, %arg10: memref<512x32xf32, #tpu.memory_space<vmem>>, %arg11: memref<!tpu.dma_semaphore, #tpu.memory_space<semaphore_mem>>) attributes {dimension_semantics = [#tpu.dimension_semantics<core_parallel>, #tpu.dimension_semantics<subcore_parallel>], iteration_bounds = array<i64: 2, 16>, scalar_prefetch = 0 : i64, scratch_operands = 5 : i64, tpu.core_type = #tpu.core_type<sc_vector_subcore>, window_params = [{transform_indices = #map}, {transform_indices = #map}, {transform_indices = #map1}, {transform_indices = #map1}, {transform_indices = #map}]} {
    %mul3A = arith.constant 2 : i32
    %mul3A_0 = arith.muli %arg1, %mul3A : i32
    %add3A = arith.addi %mul3A_0, %arg0 : i32
    %mul3A_1 = arith.constant 512 : i32
    %mul3A_2 = arith.muli %add3A, %mul3A_1 : i32
    "tpu.region"() ({
      %run_scoped3A = tpu.sem_alloc : memref<!tpu.dma_semaphore, #tpu.memory_space<semaphore_mem>>
      %dma_start3A_161 = arith.constant 0 : i32
      %dma_start3A_162 = arith.constant 0 : i32
      %dma_start3A_163 = tpu.memref_slice %arg4[%add3A, %dma_start3A_161, %dma_start3A_162] : memref<32x4x128xi32, #tpu.memory_space<hbm>> -> memref<1x4x128xi32, #tpu.memory_space<hbm>>
      %dma_start3A_164 = tpu.memref_squeeze %dma_start3A_163 : memref<1x4x128xi32, #tpu.memory_space<hbm>> -> memref<4x128xi32, #tpu.memory_space<hbm>>
      %dma_start3A_165 = arith.constant 0 : i32
      %dma_start3A_166 = arith.constant 0 : i32
      %dma_start3A_167 = tpu.memref_slice %arg4[%add3A, %dma_start3A_165, %dma_start3A_166] : memref<32x4x128xi32, #tpu.memory_space<hbm>> -> memref<1x4x128xi32, #tpu.memory_space<hbm>>
      %dma_start3A_168 = tpu.memref_squeeze %dma_start3A_167 : memref<1x4x128xi32, #tpu.memory_space<hbm>> -> memref<4x128xi32, #tpu.memory_space<hbm>>
      tpu.enqueue_dma source(%dma_start3A_168 : memref<4x128xi32, #tpu.memory_space<hbm>>) target(%arg7 : memref<4x128xi32, #tpu.memory_space<vmem>>) target_semaphore(%run_scoped3A : memref<!tpu.dma_semaphore, #tpu.memory_space<semaphore_mem>>)
      %dma_wait3A_169 = arith.constant 0 : i32
      %dma_wait3A_170 = arith.constant 0 : i32
      %dma_wait3A_171 = tpu.memref_slice %arg4[%add3A, %dma_wait3A_169, %dma_wait3A_170] : memref<32x4x128xi32, #tpu.memory_space<hbm>> -> memref<1x4x128xi32, #tpu.memory_space<hbm>>
      %dma_wait3A_172 = tpu.memref_squeeze %dma_wait3A_171 : memref<1x4x128xi32, #tpu.memory_space<hbm>> -> memref<4x128xi32, #tpu.memory_space<hbm>>
      %dma_wait3A_173 = arith.constant 0 : i32
      %dma_wait3A_174 = arith.constant 0 : i32
      %dma_wait3A_175 = tpu.memref_slice %arg4[%add3A, %dma_wait3A_173, %dma_wait3A_174] : memref<32x4x128xi32, #tpu.memory_space<hbm>> -> memref<1x4x128xi32, #tpu.memory_space<hbm>>
      %dma_wait3A_176 = tpu.memref_squeeze %dma_wait3A_175 : memref<1x4x128xi32, #tpu.memory_space<hbm>> -> memref<4x128xi32, #tpu.memory_space<hbm>>
      tpu.wait_dma2 semaphore(%run_scoped3A : memref<!tpu.dma_semaphore, #tpu.memory_space<semaphore_mem>>) src(%dma_wait3A_176 : memref<4x128xi32, #tpu.memory_space<hbm>>) dst(%arg7 : memref<4x128xi32, #tpu.memory_space<vmem>>)
      tpu.yield
    }) : () -> ()
    "tpu.region"() ({
      %run_scoped3A = tpu.sem_alloc : memref<!tpu.dma_semaphore, #tpu.memory_space<semaphore_mem>>
      %dma_start3A_161 = arith.constant 0 : i32
      %dma_start3A_162 = arith.constant 0 : i32
      %dma_start3A_163 = tpu.memref_slice %arg5[%add3A, %dma_start3A_161, %dma_start3A_162] : memref<32x4x128xi32, #tpu.memory_space<hbm>> -> memref<1x4x128xi32, #tpu.memory_space<hbm>>
      %dma_start3A_164 = tpu.memref_squeeze %dma_start3A_163 : memref<1x4x128xi32, #tpu.memory_space<hbm>> -> memref<4x128xi32, #tpu.memory_space<hbm>>
      %dma_start3A_165 = arith.constant 0 : i32
      %dma_start3A_166 = arith.constant 0 : i32
      %dma_start3A_167 = tpu.memref_slice %arg5[%add3A, %dma_start3A_165, %dma_start3A_166] : memref<32x4x128xi32, #tpu.memory_space<hbm>> -> memref<1x4x128xi32, #tpu.memory_space<hbm>>
      %dma_start3A_168 = tpu.memref_squeeze %dma_start3A_167 : memref<1x4x128xi32, #tpu.memory_space<hbm>> -> memref<4x128xi32, #tpu.memory_space<hbm>>
      tpu.enqueue_dma source(%dma_start3A_168 : memref<4x128xi32, #tpu.memory_space<hbm>>) target(%arg8 : memref<4x128xi32, #tpu.memory_space<vmem>>) target_semaphore(%run_scoped3A : memref<!tpu.dma_semaphore, #tpu.memory_space<semaphore_mem>>)
      %dma_wait3A_169 = arith.constant 0 : i32
      %dma_wait3A_170 = arith.constant 0 : i32
      %dma_wait3A_171 = tpu.memref_slice %arg5[%add3A, %dma_wait3A_169, %dma_wait3A_170] : memref<32x4x128xi32, #tpu.memory_space<hbm>> -> memref<1x4x128xi32, #tpu.memory_space<hbm>>
      %dma_wait3A_172 = tpu.memref_squeeze %dma_wait3A_171 : memref<1x4x128xi32, #tpu.memory_space<hbm>> -> memref<4x128xi32, #tpu.memory_space<hbm>>
      %dma_wait3A_173 = arith.constant 0 : i32
      %dma_wait3A_174 = arith.constant 0 : i32
      %dma_wait3A_175 = tpu.memref_slice %arg5[%add3A, %dma_wait3A_173, %dma_wait3A_174] : memref<32x4x128xi32, #tpu.memory_space<hbm>> -> memref<1x4x128xi32, #tpu.memory_space<hbm>>
      %dma_wait3A_176 = tpu.memref_squeeze %dma_wait3A_175 : memref<1x4x128xi32, #tpu.memory_space<hbm>> -> memref<4x128xi32, #tpu.memory_space<hbm>>
      tpu.wait_dma2 semaphore(%run_scoped3A : memref<!tpu.dma_semaphore, #tpu.memory_space<semaphore_mem>>) src(%dma_wait3A_176 : memref<4x128xi32, #tpu.memory_space<hbm>>) dst(%arg8 : memref<4x128xi32, #tpu.memory_space<vmem>>)
      tpu.yield
    }) : () -> ()
    %dma_start3A = arith.constant 0 : i32
    %dma_start3A_3 = arith.constant 0 : i32
    %dma_start3A_4 = arith.constant 0 : i32
    %dma_start3A_5 = tpu.memref_slice %arg9[%dma_start3A_3, %dma_start3A_4] : memref<512x32xf32, #tpu.memory_space<vmem>> -> memref<128x32xf32, #tpu.memory_space<vmem>>
    %dma_start3A_6 = arith.constant 0 : i32
    %dma_start3A_7 = tpu.memref_slice %arg7[%dma_start3A, %dma_start3A_6] : memref<4x128xi32, #tpu.memory_space<vmem>> -> memref<1x128xi32, #tpu.memory_space<vmem>>
    %dma_start3A_8 = tpu.memref_squeeze %dma_start3A_7 : memref<1x128xi32, #tpu.memory_space<vmem>> -> memref<128xi32, #tpu.memory_space<vmem>>
    %dma_start3A_9 = arith.constant 0 : i32
    %dma_start3A_10 = arith.constant 0 : i32
    %dma_start3A_11 = tpu.memref_slice %arg2[%dma_start3A_9, %dma_start3A_10] : memref<100000x32xf32, #tpu.memory_space<hbm>> -> memref<100000x32xf32, #tpu.memory_space<hbm>>
    tpu.enqueue_indirect_dma source(%dma_start3A_11 : memref<100000x32xf32, #tpu.memory_space<hbm>>) target(%dma_start3A_5 : memref<128x32xf32, #tpu.memory_space<vmem>>) offsets(%dma_start3A_8 : memref<128xi32, #tpu.memory_space<vmem>>) semaphore(%arg11 : memref<!tpu.dma_semaphore, #tpu.memory_space<semaphore_mem>>)
    %dma_start3A_12 = arith.constant 0 : i32
    %dma_start3A_13 = arith.constant 0 : i32
    %dma_start3A_14 = arith.constant 0 : i32
    %dma_start3A_15 = tpu.memref_slice %arg10[%dma_start3A_13, %dma_start3A_14] : memref<512x32xf32, #tpu.memory_space<vmem>> -> memref<128x32xf32, #tpu.memory_space<vmem>>
    %dma_start3A_16 = arith.constant 0 : i32
    %dma_start3A_17 = tpu.memref_slice %arg8[%dma_start3A_12, %dma_start3A_16] : memref<4x128xi32, #tpu.memory_space<vmem>> -> memref<1x128xi32, #tpu.memory_space<vmem>>
    %dma_start3A_18 = tpu.memref_squeeze %dma_start3A_17 : memref<1x128xi32, #tpu.memory_space<vmem>> -> memref<128xi32, #tpu.memory_space<vmem>>
    %dma_start3A_19 = arith.constant 0 : i32
    %dma_start3A_20 = arith.constant 0 : i32
    %dma_start3A_21 = tpu.memref_slice %arg3[%dma_start3A_19, %dma_start3A_20] : memref<100000x32xf32, #tpu.memory_space<hbm>> -> memref<100000x32xf32, #tpu.memory_space<hbm>>
    tpu.enqueue_indirect_dma source(%dma_start3A_21 : memref<100000x32xf32, #tpu.memory_space<hbm>>) target(%dma_start3A_15 : memref<128x32xf32, #tpu.memory_space<vmem>>) offsets(%dma_start3A_18 : memref<128xi32, #tpu.memory_space<vmem>>) semaphore(%arg11 : memref<!tpu.dma_semaphore, #tpu.memory_space<semaphore_mem>>)
    %dma_start3A_22 = arith.constant 1 : i32
    %dma_start3A_23 = arith.constant 128 : i32
    %dma_start3A_24 = arith.constant 0 : i32
    %dma_start3A_25 = tpu.memref_slice %arg9[%dma_start3A_23, %dma_start3A_24] : memref<512x32xf32, #tpu.memory_space<vmem>> -> memref<128x32xf32, #tpu.memory_space<vmem>>
    %dma_start3A_26 = arith.constant 0 : i32
    %dma_start3A_27 = tpu.memref_slice %arg7[%dma_start3A_22, %dma_start3A_26] : memref<4x128xi32, #tpu.memory_space<vmem>> -> memref<1x128xi32, #tpu.memory_space<vmem>>
    %dma_start3A_28 = tpu.memref_squeeze %dma_start3A_27 : memref<1x128xi32, #tpu.memory_space<vmem>> -> memref<128xi32, #tpu.memory_space<vmem>>
    %dma_start3A_29 = arith.constant 0 : i32
    %dma_start3A_30 = arith.constant 0 : i32
    %dma_start3A_31 = tpu.memref_slice %arg2[%dma_start3A_29, %dma_start3A_30] : memref<100000x32xf32, #tpu.memory_space<hbm>> -> memref<100000x32xf32, #tpu.memory_space<hbm>>
    tpu.enqueue_indirect_dma source(%dma_start3A_31 : memref<100000x32xf32, #tpu.memory_space<hbm>>) target(%dma_start3A_25 : memref<128x32xf32, #tpu.memory_space<vmem>>) offsets(%dma_start3A_28 : memref<128xi32, #tpu.memory_space<vmem>>) semaphore(%arg11 : memref<!tpu.dma_semaphore, #tpu.memory_space<semaphore_mem>>)
    %dma_start3A_32 = arith.constant 1 : i32
    %dma_start3A_33 = arith.constant 128 : i32
    %dma_start3A_34 = arith.constant 0 : i32
    %dma_start3A_35 = tpu.memref_slice %arg10[%dma_start3A_33, %dma_start3A_34] : memref<512x32xf32, #tpu.memory_space<vmem>> -> memref<128x32xf32, #tpu.memory_space<vmem>>
    %dma_start3A_36 = arith.constant 0 : i32
    %dma_start3A_37 = tpu.memref_slice %arg8[%dma_start3A_32, %dma_start3A_36] : memref<4x128xi32, #tpu.memory_space<vmem>> -> memref<1x128xi32, #tpu.memory_space<vmem>>
    %dma_start3A_38 = tpu.memref_squeeze %dma_start3A_37 : memref<1x128xi32, #tpu.memory_space<vmem>> -> memref<128xi32, #tpu.memory_space<vmem>>
    %dma_start3A_39 = arith.constant 0 : i32
    %dma_start3A_40 = arith.constant 0 : i32
    %dma_start3A_41 = tpu.memref_slice %arg3[%dma_start3A_39, %dma_start3A_40] : memref<100000x32xf32, #tpu.memory_space<hbm>> -> memref<100000x32xf32, #tpu.memory_space<hbm>>
    tpu.enqueue_indirect_dma source(%dma_start3A_41 : memref<100000x32xf32, #tpu.memory_space<hbm>>) target(%dma_start3A_35 : memref<128x32xf32, #tpu.memory_space<vmem>>) offsets(%dma_start3A_38 : memref<128xi32, #tpu.memory_space<vmem>>) semaphore(%arg11 : memref<!tpu.dma_semaphore, #tpu.memory_space<semaphore_mem>>)
    %dma_start3A_42 = arith.constant 2 : i32
    %dma_start3A_43 = arith.constant 256 : i32
    %dma_start3A_44 = arith.constant 0 : i32
    %dma_start3A_45 = tpu.memref_slice %arg9[%dma_start3A_43, %dma_start3A_44] : memref<512x32xf32, #tpu.memory_space<vmem>> -> memref<128x32xf32, #tpu.memory_space<vmem>>
    %dma_start3A_46 = arith.constant 0 : i32
    %dma_start3A_47 = tpu.memref_slice %arg7[%dma_start3A_42, %dma_start3A_46] : memref<4x128xi32, #tpu.memory_space<vmem>> -> memref<1x128xi32, #tpu.memory_space<vmem>>
    %dma_start3A_48 = tpu.memref_squeeze %dma_start3A_47 : memref<1x128xi32, #tpu.memory_space<vmem>> -> memref<128xi32, #tpu.memory_space<vmem>>
    %dma_start3A_49 = arith.constant 0 : i32
    %dma_start3A_50 = arith.constant 0 : i32
    %dma_start3A_51 = tpu.memref_slice %arg2[%dma_start3A_49, %dma_start3A_50] : memref<100000x32xf32, #tpu.memory_space<hbm>> -> memref<100000x32xf32, #tpu.memory_space<hbm>>
    tpu.enqueue_indirect_dma source(%dma_start3A_51 : memref<100000x32xf32, #tpu.memory_space<hbm>>) target(%dma_start3A_45 : memref<128x32xf32, #tpu.memory_space<vmem>>) offsets(%dma_start3A_48 : memref<128xi32, #tpu.memory_space<vmem>>) semaphore(%arg11 : memref<!tpu.dma_semaphore, #tpu.memory_space<semaphore_mem>>)
    %dma_start3A_52 = arith.constant 2 : i32
    %dma_start3A_53 = arith.constant 256 : i32
    %dma_start3A_54 = arith.constant 0 : i32
    %dma_start3A_55 = tpu.memref_slice %arg10[%dma_start3A_53, %dma_start3A_54] : memref<512x32xf32, #tpu.memory_space<vmem>> -> memref<128x32xf32, #tpu.memory_space<vmem>>
    %dma_start3A_56 = arith.constant 0 : i32
    %dma_start3A_57 = tpu.memref_slice %arg8[%dma_start3A_52, %dma_start3A_56] : memref<4x128xi32, #tpu.memory_space<vmem>> -> memref<1x128xi32, #tpu.memory_space<vmem>>
    %dma_start3A_58 = tpu.memref_squeeze %dma_start3A_57 : memref<1x128xi32, #tpu.memory_space<vmem>> -> memref<128xi32, #tpu.memory_space<vmem>>
    %dma_start3A_59 = arith.constant 0 : i32
    %dma_start3A_60 = arith.constant 0 : i32
    %dma_start3A_61 = tpu.memref_slice %arg3[%dma_start3A_59, %dma_start3A_60] : memref<100000x32xf32, #tpu.memory_space<hbm>> -> memref<100000x32xf32, #tpu.memory_space<hbm>>
    tpu.enqueue_indirect_dma source(%dma_start3A_61 : memref<100000x32xf32, #tpu.memory_space<hbm>>) target(%dma_start3A_55 : memref<128x32xf32, #tpu.memory_space<vmem>>) offsets(%dma_start3A_58 : memref<128xi32, #tpu.memory_space<vmem>>) semaphore(%arg11 : memref<!tpu.dma_semaphore, #tpu.memory_space<semaphore_mem>>)
    %dma_start3A_62 = arith.constant 3 : i32
    %dma_start3A_63 = arith.constant 384 : i32
    %dma_start3A_64 = arith.constant 0 : i32
    %dma_start3A_65 = tpu.memref_slice %arg9[%dma_start3A_63, %dma_start3A_64] : memref<512x32xf32, #tpu.memory_space<vmem>> -> memref<128x32xf32, #tpu.memory_space<vmem>>
    %dma_start3A_66 = arith.constant 0 : i32
    %dma_start3A_67 = tpu.memref_slice %arg7[%dma_start3A_62, %dma_start3A_66] : memref<4x128xi32, #tpu.memory_space<vmem>> -> memref<1x128xi32, #tpu.memory_space<vmem>>
    %dma_start3A_68 = tpu.memref_squeeze %dma_start3A_67 : memref<1x128xi32, #tpu.memory_space<vmem>> -> memref<128xi32, #tpu.memory_space<vmem>>
    %dma_start3A_69 = arith.constant 0 : i32
    %dma_start3A_70 = arith.constant 0 : i32
    %dma_start3A_71 = tpu.memref_slice %arg2[%dma_start3A_69, %dma_start3A_70] : memref<100000x32xf32, #tpu.memory_space<hbm>> -> memref<100000x32xf32, #tpu.memory_space<hbm>>
    tpu.enqueue_indirect_dma source(%dma_start3A_71 : memref<100000x32xf32, #tpu.memory_space<hbm>>) target(%dma_start3A_65 : memref<128x32xf32, #tpu.memory_space<vmem>>) offsets(%dma_start3A_68 : memref<128xi32, #tpu.memory_space<vmem>>) semaphore(%arg11 : memref<!tpu.dma_semaphore, #tpu.memory_space<semaphore_mem>>)
    %dma_start3A_72 = arith.constant 3 : i32
    %dma_start3A_73 = arith.constant 384 : i32
    %dma_start3A_74 = arith.constant 0 : i32
    %dma_start3A_75 = tpu.memref_slice %arg10[%dma_start3A_73, %dma_start3A_74] : memref<512x32xf32, #tpu.memory_space<vmem>> -> memref<128x32xf32, #tpu.memory_space<vmem>>
    %dma_start3A_76 = arith.constant 0 : i32
    %dma_start3A_77 = tpu.memref_slice %arg8[%dma_start3A_72, %dma_start3A_76] : memref<4x128xi32, #tpu.memory_space<vmem>> -> memref<1x128xi32, #tpu.memory_space<vmem>>
    %dma_start3A_78 = tpu.memref_squeeze %dma_start3A_77 : memref<1x128xi32, #tpu.memory_space<vmem>> -> memref<128xi32, #tpu.memory_space<vmem>>
    %dma_start3A_79 = arith.constant 0 : i32
    %dma_start3A_80 = arith.constant 0 : i32
    %dma_start3A_81 = tpu.memref_slice %arg3[%dma_start3A_79, %dma_start3A_80] : memref<100000x32xf32, #tpu.memory_space<hbm>> -> memref<100000x32xf32, #tpu.memory_space<hbm>>
    tpu.enqueue_indirect_dma source(%dma_start3A_81 : memref<100000x32xf32, #tpu.memory_space<hbm>>) target(%dma_start3A_75 : memref<128x32xf32, #tpu.memory_space<vmem>>) offsets(%dma_start3A_78 : memref<128xi32, #tpu.memory_space<vmem>>) semaphore(%arg11 : memref<!tpu.dma_semaphore, #tpu.memory_space<semaphore_mem>>)
    %dma_wait3A = arith.constant 0 : i32
    %dma_wait3A_82 = arith.constant 0 : i32
    %dma_wait3A_83 = arith.constant 0 : i32
    %dma_wait3A_84 = tpu.memref_slice %arg9[%dma_wait3A_82, %dma_wait3A_83] : memref<512x32xf32, #tpu.memory_space<vmem>> -> memref<128x32xf32, #tpu.memory_space<vmem>>
    %dma_wait3A_85 = arith.constant 0 : i32
    %dma_wait3A_86 = tpu.memref_slice %arg7[%dma_wait3A, %dma_wait3A_85] : memref<4x128xi32, #tpu.memory_space<vmem>> -> memref<1x128xi32, #tpu.memory_space<vmem>>
    %dma_wait3A_87 = tpu.memref_squeeze %dma_wait3A_86 : memref<1x128xi32, #tpu.memory_space<vmem>> -> memref<128xi32, #tpu.memory_space<vmem>>
    %dma_wait3A_88 = arith.constant 0 : i32
    %dma_wait3A_89 = arith.constant 0 : i32
    %dma_wait3A_90 = tpu.memref_slice %arg2[%dma_wait3A_88, %dma_wait3A_89] : memref<100000x32xf32, #tpu.memory_space<hbm>> -> memref<100000x32xf32, #tpu.memory_space<hbm>>
    tpu.wait_indirect_dma semaphore(%arg11 : memref<!tpu.dma_semaphore, #tpu.memory_space<semaphore_mem>>) src(%dma_wait3A_90 : memref<100000x32xf32, #tpu.memory_space<hbm>>) dst(%dma_wait3A_84 : memref<128x32xf32, #tpu.memory_space<vmem>>)
    %dma_wait3A_91 = arith.constant 0 : i32
    %dma_wait3A_92 = arith.constant 0 : i32
    %dma_wait3A_93 = arith.constant 0 : i32
    %dma_wait3A_94 = tpu.memref_slice %arg10[%dma_wait3A_92, %dma_wait3A_93] : memref<512x32xf32, #tpu.memory_space<vmem>> -> memref<128x32xf32, #tpu.memory_space<vmem>>
    %dma_wait3A_95 = arith.constant 0 : i32
    %dma_wait3A_96 = tpu.memref_slice %arg8[%dma_wait3A_91, %dma_wait3A_95] : memref<4x128xi32, #tpu.memory_space<vmem>> -> memref<1x128xi32, #tpu.memory_space<vmem>>
    %dma_wait3A_97 = tpu.memref_squeeze %dma_wait3A_96 : memref<1x128xi32, #tpu.memory_space<vmem>> -> memref<128xi32, #tpu.memory_space<vmem>>
    %dma_wait3A_98 = arith.constant 0 : i32
    %dma_wait3A_99 = arith.constant 0 : i32
    %dma_wait3A_100 = tpu.memref_slice %arg3[%dma_wait3A_98, %dma_wait3A_99] : memref<100000x32xf32, #tpu.memory_space<hbm>> -> memref<100000x32xf32, #tpu.memory_space<hbm>>
    tpu.wait_indirect_dma semaphore(%arg11 : memref<!tpu.dma_semaphore, #tpu.memory_space<semaphore_mem>>) src(%dma_wait3A_100 : memref<100000x32xf32, #tpu.memory_space<hbm>>) dst(%dma_wait3A_94 : memref<128x32xf32, #tpu.memory_space<vmem>>)
    %dma_wait3A_101 = arith.constant 1 : i32
    %dma_wait3A_102 = arith.constant 128 : i32
    %dma_wait3A_103 = arith.constant 0 : i32
    %dma_wait3A_104 = tpu.memref_slice %arg9[%dma_wait3A_102, %dma_wait3A_103] : memref<512x32xf32, #tpu.memory_space<vmem>> -> memref<128x32xf32, #tpu.memory_space<vmem>>
    %dma_wait3A_105 = arith.constant 0 : i32
    %dma_wait3A_106 = tpu.memref_slice %arg7[%dma_wait3A_101, %dma_wait3A_105] : memref<4x128xi32, #tpu.memory_space<vmem>> -> memref<1x128xi32, #tpu.memory_space<vmem>>
    %dma_wait3A_107 = tpu.memref_squeeze %dma_wait3A_106 : memref<1x128xi32, #tpu.memory_space<vmem>> -> memref<128xi32, #tpu.memory_space<vmem>>
    %dma_wait3A_108 = arith.constant 0 : i32
    %dma_wait3A_109 = arith.constant 0 : i32
    %dma_wait3A_110 = tpu.memref_slice %arg2[%dma_wait3A_108, %dma_wait3A_109] : memref<100000x32xf32, #tpu.memory_space<hbm>> -> memref<100000x32xf32, #tpu.memory_space<hbm>>
    tpu.wait_indirect_dma semaphore(%arg11 : memref<!tpu.dma_semaphore, #tpu.memory_space<semaphore_mem>>) src(%dma_wait3A_110 : memref<100000x32xf32, #tpu.memory_space<hbm>>) dst(%dma_wait3A_104 : memref<128x32xf32, #tpu.memory_space<vmem>>)
    %dma_wait3A_111 = arith.constant 1 : i32
    %dma_wait3A_112 = arith.constant 128 : i32
    %dma_wait3A_113 = arith.constant 0 : i32
    %dma_wait3A_114 = tpu.memref_slice %arg10[%dma_wait3A_112, %dma_wait3A_113] : memref<512x32xf32, #tpu.memory_space<vmem>> -> memref<128x32xf32, #tpu.memory_space<vmem>>
    %dma_wait3A_115 = arith.constant 0 : i32
    %dma_wait3A_116 = tpu.memref_slice %arg8[%dma_wait3A_111, %dma_wait3A_115] : memref<4x128xi32, #tpu.memory_space<vmem>> -> memref<1x128xi32, #tpu.memory_space<vmem>>
    %dma_wait3A_117 = tpu.memref_squeeze %dma_wait3A_116 : memref<1x128xi32, #tpu.memory_space<vmem>> -> memref<128xi32, #tpu.memory_space<vmem>>
    %dma_wait3A_118 = arith.constant 0 : i32
    %dma_wait3A_119 = arith.constant 0 : i32
    %dma_wait3A_120 = tpu.memref_slice %arg3[%dma_wait3A_118, %dma_wait3A_119] : memref<100000x32xf32, #tpu.memory_space<hbm>> -> memref<100000x32xf32, #tpu.memory_space<hbm>>
    tpu.wait_indirect_dma semaphore(%arg11 : memref<!tpu.dma_semaphore, #tpu.memory_space<semaphore_mem>>) src(%dma_wait3A_120 : memref<100000x32xf32, #tpu.memory_space<hbm>>) dst(%dma_wait3A_114 : memref<128x32xf32, #tpu.memory_space<vmem>>)
    %dma_wait3A_121 = arith.constant 2 : i32
    %dma_wait3A_122 = arith.constant 256 : i32
    %dma_wait3A_123 = arith.constant 0 : i32
    %dma_wait3A_124 = tpu.memref_slice %arg9[%dma_wait3A_122, %dma_wait3A_123] : memref<512x32xf32, #tpu.memory_space<vmem>> -> memref<128x32xf32, #tpu.memory_space<vmem>>
    %dma_wait3A_125 = arith.constant 0 : i32
    %dma_wait3A_126 = tpu.memref_slice %arg7[%dma_wait3A_121, %dma_wait3A_125] : memref<4x128xi32, #tpu.memory_space<vmem>> -> memref<1x128xi32, #tpu.memory_space<vmem>>
    %dma_wait3A_127 = tpu.memref_squeeze %dma_wait3A_126 : memref<1x128xi32, #tpu.memory_space<vmem>> -> memref<128xi32, #tpu.memory_space<vmem>>
    %dma_wait3A_128 = arith.constant 0 : i32
    %dma_wait3A_129 = arith.constant 0 : i32
    %dma_wait3A_130 = tpu.memref_slice %arg2[%dma_wait3A_128, %dma_wait3A_129] : memref<100000x32xf32, #tpu.memory_space<hbm>> -> memref<100000x32xf32, #tpu.memory_space<hbm>>
    tpu.wait_indirect_dma semaphore(%arg11 : memref<!tpu.dma_semaphore, #tpu.memory_space<semaphore_mem>>) src(%dma_wait3A_130 : memref<100000x32xf32, #tpu.memory_space<hbm>>) dst(%dma_wait3A_124 : memref<128x32xf32, #tpu.memory_space<vmem>>)
    %dma_wait3A_131 = arith.constant 2 : i32
    %dma_wait3A_132 = arith.constant 256 : i32
    %dma_wait3A_133 = arith.constant 0 : i32
    %dma_wait3A_134 = tpu.memref_slice %arg10[%dma_wait3A_132, %dma_wait3A_133] : memref<512x32xf32, #tpu.memory_space<vmem>> -> memref<128x32xf32, #tpu.memory_space<vmem>>
    %dma_wait3A_135 = arith.constant 0 : i32
    %dma_wait3A_136 = tpu.memref_slice %arg8[%dma_wait3A_131, %dma_wait3A_135] : memref<4x128xi32, #tpu.memory_space<vmem>> -> memref<1x128xi32, #tpu.memory_space<vmem>>
    %dma_wait3A_137 = tpu.memref_squeeze %dma_wait3A_136 : memref<1x128xi32, #tpu.memory_space<vmem>> -> memref<128xi32, #tpu.memory_space<vmem>>
    %dma_wait3A_138 = arith.constant 0 : i32
    %dma_wait3A_139 = arith.constant 0 : i32
    %dma_wait3A_140 = tpu.memref_slice %arg3[%dma_wait3A_138, %dma_wait3A_139] : memref<100000x32xf32, #tpu.memory_space<hbm>> -> memref<100000x32xf32, #tpu.memory_space<hbm>>
    tpu.wait_indirect_dma semaphore(%arg11 : memref<!tpu.dma_semaphore, #tpu.memory_space<semaphore_mem>>) src(%dma_wait3A_140 : memref<100000x32xf32, #tpu.memory_space<hbm>>) dst(%dma_wait3A_134 : memref<128x32xf32, #tpu.memory_space<vmem>>)
    %dma_wait3A_141 = arith.constant 3 : i32
    %dma_wait3A_142 = arith.constant 384 : i32
    %dma_wait3A_143 = arith.constant 0 : i32
    %dma_wait3A_144 = tpu.memref_slice %arg9[%dma_wait3A_142, %dma_wait3A_143] : memref<512x32xf32, #tpu.memory_space<vmem>> -> memref<128x32xf32, #tpu.memory_space<vmem>>
    %dma_wait3A_145 = arith.constant 0 : i32
    %dma_wait3A_146 = tpu.memref_slice %arg7[%dma_wait3A_141, %dma_wait3A_145] : memref<4x128xi32, #tpu.memory_space<vmem>> -> memref<1x128xi32, #tpu.memory_space<vmem>>
    %dma_wait3A_147 = tpu.memref_squeeze %dma_wait3A_146 : memref<1x128xi32, #tpu.memory_space<vmem>> -> memref<128xi32, #tpu.memory_space<vmem>>
    %dma_wait3A_148 = arith.constant 0 : i32
    %dma_wait3A_149 = arith.constant 0 : i32
    %dma_wait3A_150 = tpu.memref_slice %arg2[%dma_wait3A_148, %dma_wait3A_149] : memref<100000x32xf32, #tpu.memory_space<hbm>> -> memref<100000x32xf32, #tpu.memory_space<hbm>>
    tpu.wait_indirect_dma semaphore(%arg11 : memref<!tpu.dma_semaphore, #tpu.memory_space<semaphore_mem>>) src(%dma_wait3A_150 : memref<100000x32xf32, #tpu.memory_space<hbm>>) dst(%dma_wait3A_144 : memref<128x32xf32, #tpu.memory_space<vmem>>)
    %dma_wait3A_151 = arith.constant 3 : i32
    %dma_wait3A_152 = arith.constant 384 : i32
    %dma_wait3A_153 = arith.constant 0 : i32
    %dma_wait3A_154 = tpu.memref_slice %arg10[%dma_wait3A_152, %dma_wait3A_153] : memref<512x32xf32, #tpu.memory_space<vmem>> -> memref<128x32xf32, #tpu.memory_space<vmem>>
    %dma_wait3A_155 = arith.constant 0 : i32
    %dma_wait3A_156 = tpu.memref_slice %arg8[%dma_wait3A_151, %dma_wait3A_155] : memref<4x128xi32, #tpu.memory_space<vmem>> -> memref<1x128xi32, #tpu.memory_space<vmem>>
    %dma_wait3A_157 = tpu.memref_squeeze %dma_wait3A_156 : memref<1x128xi32, #tpu.memory_space<vmem>> -> memref<128xi32, #tpu.memory_space<vmem>>
    %dma_wait3A_158 = arith.constant 0 : i32
    %dma_wait3A_159 = arith.constant 0 : i32
    %dma_wait3A_160 = tpu.memref_slice %arg3[%dma_wait3A_158, %dma_wait3A_159] : memref<100000x32xf32, #tpu.memory_space<hbm>> -> memref<100000x32xf32, #tpu.memory_space<hbm>>
    tpu.wait_indirect_dma semaphore(%arg11 : memref<!tpu.dma_semaphore, #tpu.memory_space<semaphore_mem>>) src(%dma_wait3A_160 : memref<100000x32xf32, #tpu.memory_space<hbm>>) dst(%dma_wait3A_154 : memref<128x32xf32, #tpu.memory_space<vmem>>)
    "tpu.region"() ({
      %run_scoped3A = tpu.sem_alloc : memref<!tpu.dma_semaphore, #tpu.memory_space<semaphore_mem>>
      %dma_start3A_161 = arith.constant 0 : i32
      %dma_start3A_162 = tpu.memref_slice %arg6[%mul3A_2, %dma_start3A_161] : memref<16384x64xf32, #tpu.memory_space<hbm>> -> memref<512x32xf32, #tpu.memory_space<hbm>>
      %dma_start3A_163 = arith.constant 0 : i32
      %dma_start3A_164 = tpu.memref_slice %arg6[%mul3A_2, %dma_start3A_163] : memref<16384x64xf32, #tpu.memory_space<hbm>> -> memref<512x32xf32, #tpu.memory_space<hbm>>
      tpu.enqueue_dma source(%arg9 : memref<512x32xf32, #tpu.memory_space<vmem>>) target(%dma_start3A_164 : memref<512x32xf32, #tpu.memory_space<hbm>>) target_semaphore(%run_scoped3A : memref<!tpu.dma_semaphore, #tpu.memory_space<semaphore_mem>>)
      %dma_wait3A_165 = arith.constant 0 : i32
      %dma_wait3A_166 = tpu.memref_slice %arg6[%mul3A_2, %dma_wait3A_165] : memref<16384x64xf32, #tpu.memory_space<hbm>> -> memref<512x32xf32, #tpu.memory_space<hbm>>
      %dma_wait3A_167 = arith.constant 0 : i32
      %dma_wait3A_168 = tpu.memref_slice %arg6[%mul3A_2, %dma_wait3A_167] : memref<16384x64xf32, #tpu.memory_space<hbm>> -> memref<512x32xf32, #tpu.memory_space<hbm>>
      tpu.wait_dma2 semaphore(%run_scoped3A : memref<!tpu.dma_semaphore, #tpu.memory_space<semaphore_mem>>) src(%arg9 : memref<512x32xf32, #tpu.memory_space<vmem>>) dst(%dma_wait3A_168 : memref<512x32xf32, #tpu.memory_space<hbm>>)
      tpu.yield
    }) : () -> ()
    "tpu.region"() ({
      %run_scoped3A = tpu.sem_alloc : memref<!tpu.dma_semaphore, #tpu.memory_space<semaphore_mem>>
      %dma_start3A_161 = arith.constant 32 : i32
      %dma_start3A_162 = tpu.memref_slice %arg6[%mul3A_2, %dma_start3A_161] : memref<16384x64xf32, #tpu.memory_space<hbm>> -> memref<512x32xf32, #tpu.memory_space<hbm>>
      %dma_start3A_163 = arith.constant 32 : i32
      %dma_start3A_164 = tpu.memref_slice %arg6[%mul3A_2, %dma_start3A_163] : memref<16384x64xf32, #tpu.memory_space<hbm>> -> memref<512x32xf32, #tpu.memory_space<hbm>>
      tpu.enqueue_dma source(%arg10 : memref<512x32xf32, #tpu.memory_space<vmem>>) target(%dma_start3A_164 : memref<512x32xf32, #tpu.memory_space<hbm>>) target_semaphore(%run_scoped3A : memref<!tpu.dma_semaphore, #tpu.memory_space<semaphore_mem>>)
      %dma_wait3A_165 = arith.constant 32 : i32
      %dma_wait3A_166 = tpu.memref_slice %arg6[%mul3A_2, %dma_wait3A_165] : memref<16384x64xf32, #tpu.memory_space<hbm>> -> memref<512x32xf32, #tpu.memory_space<hbm>>
      %dma_wait3A_167 = arith.constant 32 : i32
      %dma_wait3A_168 = tpu.memref_slice %arg6[%mul3A_2, %dma_wait3A_167] : memref<16384x64xf32, #tpu.memory_space<hbm>> -> memref<512x32xf32, #tpu.memory_space<hbm>>
      tpu.wait_dma2 semaphore(%run_scoped3A : memref<!tpu.dma_semaphore, #tpu.memory_space<semaphore_mem>>) src(%arg10 : memref<512x32xf32, #tpu.memory_space<vmem>>) dst(%dma_wait3A_168 : memref<512x32xf32, #tpu.memory_space<hbm>>)
      tpu.yield
    }) : () -> ()
    return
  }
}

</mosaic_0001>

<sc_bundles>
// kernel: kernel.3.cloned.1.call-start
scs
__scs_entry_jumppad:
0x0: {  	(pc) =	sbr.rel $0x88, $3  }
0x1: {  	(tag) =	ssettag $0x0;
	lr =	simm.s32 $0x1  }
0x2: {  	[smem:$0x3F9E] =	sst lr;
	_ =	strace $0xD0000000  }
0x3: {  	_ = 	snop  }
0x4: {  	_ = 	snop  }
0x5: {  	_ = 	snop  }
0x6: {  	_ = 	snop  }
0x7: {  	_ = 	snop  }
__scs_overlays_trampoline_lowered:
0x8: {  	[smem:$0x3FAD] =	sst s0  }
0x9: {  	[smem:$0x3FAE] =	sst s1  }
0xa: {  	[smem:$0x3FAF] =	sst s2  }
0xb: {  	[smem:$0x3FB0] =	sst s3  }
0xc: {  	[smem:$0x3FB1] =	sst s4  }
0xd: {  	[smem:$0x3FB2] =	sst s5  }
0xe: {  	[smem:$0x3FB3] =	sst s6  }
0xf: {  	[smem:$0x3FB4] =	sst s7  }
0x10: {  	[smem:$0x3FB5] =	sst s8  }
0x11: {  	[smem:$0x3FB6] =	sst s9;
	s0 =	simm.s32 @!p0 $0x0  }
0x12: {  	s1 =	sld [smem:$0x3F9C];
	s0 =	simm.s32 @p0 $0x1  }
0x13: {  	[smem:$0x3FB7] =	sst s0;
	s0 =	simm.s32 @!p1 $0x0  }
0x14: {  	s2 =	sld [smem:$0x3F9B];
	s0 =	simm.s32 @p1 $0x1  }
0x15: {  	[smem:$0x3FB8] =	sst s0;
	s0 =	simm.s32 @!p2 $0x0  }
0x16: {  	s3 =	sld [smem:$0x3FDB];
	s0 =	simm.s32 @p2 $0x1  }
0x17: {  	s4 =	simm.s32 $0x1BF5;
	[smem:$0x3FBA] =	sst s0  }
0x18: {  	s0 =	sld [smem:$0x3F9D];
	_ =	swait.ge [sflag:s4], $0x0  }
0x19: {  	s7 =	sld [smem:$0x3F9E]  }
0x1a: {  	s8 =	sadd.s32 $0xFFFFE003, lr  }
0x1b: {  	s9 =	sadd.s32 $0xFFFFFEF7, lr;
	s5 =	simm.s32 $0xFFFFFFFF;
	p2 =	slt.u32 s8, $0xFFFFF086  }
0x1c: {  	p1 =	slt.u32 s9, $0xF7A;
	s5 =	simm.s32 @!p2 $0x0  }
0x1d: {  	s5 =	simm.s32 @p1 $0x1;
	p0 =	seq.s32 s7, s2  }
0x1e: {  	s7 =	smul.u32 @!p0 $0xF7A, s2;
	p2 =	seq.s32 @!p0 s5, $0x0  }
0x1f: {  	s9 =	smul.u32 $0xF7A, s1;
	s8 =	simm.s32 @!p0 $0x1BF5;
	p2 =	por !p2, p0  }
0x20: {  	[sflag:s8] =	ssyncset.s32 @!p0 $0xFFFFF086;
	s6 =	sadd.s32 @!p0 s3, s7;
	s7 =	simm.s32 @!p0 $0x108  }
0x21: {  	s3 =	sadd.s32 s3, s9;
	s6 =	sadd.s32 @!p0 $0x88, s6;
	s7 =	simm.s32 @p2 $0x1082  }
0x22: {  	[simem:s7], [sflag:s8] =	dma.local @!p0 [hbm:s6], $0xF7A  }
0x23: {  	s9 =	sor.u32 $0xD0000000, s2;
	s6 =	simm.s32 $0x108;
	_ =	swait.ge @!p0 [sflag:s8], $0x0  }
0x24: {  	s3 =	sadd.s32 $0x88, s3;
	s6 =	simm.s32 @!p1 $0x1082;
	[sflag:s4] =	ssyncset.s32 $0xFFFFF086  }
0x25: {  	[simem:s6], [sflag:s4] =	dma.local [hbm:s3], $0xF7A  }
0x26: {  	[smem:$0x3F9E] =	sst s1;
	(tag) =	ssettag s2;
	_ =	strace s9  }
0x27: {  	s1 =	sld [smem:$0x3FAE]  }
0x28: {  	s2 =	sld [smem:$0x3FAF]  }
0x29: {  	s4 =	sld [smem:$0x3FB1]  }
0x2a: {  	p0 =	seq.s32 s5, $0x0;
	s5 =	sld [smem:$0x3FB2]  }
0x2b: {  	s6 =	sld [smem:$0x3FB3]  }
0x2c: {  	s7 =	sld [smem:$0x3FB4]  }
0x2d: {  	s3 =	simm.s32 $0x108;
	s8 =	sld [smem:$0x3FB5]  }
0x2e: {  	s3 =	simm.s32 @!p0 $0x1082;
	s9 =	sld [smem:$0x3FB6]  }
0x2f: {  	lr =	sadd.s32 s0, s3;
	s0 =	sld [smem:$0x3FAD]  }
0x30: {  	s3 =	sld [smem:$0x3FB0]  }
0x31: {  	[smem:$0x3FB9] =	sst s10  }
0x32: {  	s10 =	sld [smem:$0x3FB7];
	_ =	sdelay $0x3  }
0x33: {  	p0 =	seq.s32 s10, $0x1;
	s10 =	sld [smem:$0x3FB9];
	_ =	sdelay $0x3  }
0x34: {  	[smem:$0x3FB9] =	sst s10  }
0x35: {  	s10 =	sld [smem:$0x3FB8];
	_ =	sdelay $0x3  }
0x36: {  	p1 =	seq.s32 s10, $0x1;
	s10 =	sld [smem:$0x3FB9];
	_ =	sdelay $0x3  }
0x37: {  	[smem:$0x3FB9] =	sst s10  }
0x38: {  	s10 =	sld [smem:$0x3FBA]  }
0x39: {  	_ = 	snop;
	(pc) =	sbr.ind lr, $3  }
0x3a: {  	_ = 	snop  }
0x3b: {  	_ = 	snop  }
0x3c: {  	p2 =	seq.s32 s10, $0x1;
	s10 =	sld [smem:$0x3FB9]  }
0x3d: {  	_ =	shalt  }
0x3e: {  	_ =	shalt  }
0x3f: {  	_ =	shalt  }
0x40: {  	_ =	shalt  }
0x41: {  	_ =	shalt  }
0x42: {  	_ =	shalt  }
0x43: {  	_ =	shalt  }
0x44: {  	_ =	shalt  }
0x45: {  	_ =	shalt  }
0x46: {  	_ =	shalt  }
0x47: {  	_ =	shalt  }
0x48: {  	_ =	shalt  }
0x49: {  	_ =	shalt  }
0x4a: {  	_ =	shalt  }
0x4b: {  	_ =	shalt  }
0x4c: {  	_ =	shalt  }
0x4d: {  	_ =	shalt  }
0x4e: {  	_ =	shalt  }
0x4f: {  	_ =	shalt  }
0x50: {  	_ =	shalt  }
0x51: {  	_ =	shalt  }
0x52: {  	_ =	shalt  }
0x53: {  	_ =	shalt  }
0x54: {  	_ =	shalt  }
0x55: {  	_ =	shalt  }
0x56: {  	_ =	shalt  }
0x57: {  	_ =	shalt  }
0x58: {  	_ =	shalt  }
0x59: {  	_ =	shalt  }
0x5a: {  	_ =	shalt  }
0x5b: {  	_ =	shalt  }
0x5c: {  	_ =	shalt  }
0x5d: {  	_ =	shalt  }
0x5e: {  	_ =	shalt  }
0x5f: {  	_ =	shalt  }
0x60: {  	_ =	shalt  }
0x61: {  	_ =	shalt  }
0x62: {  	_ =	shalt  }
0x63: {  	_ =	shalt  }
0x64: {  	_ =	shalt  }
0x65: {  	_ =	shalt  }
0x66: {  	_ =	shalt  }
0x67: {  	_ =	shalt  }
0x68: {  	_ =	shalt  }
0x69: {  	_ =	shalt  }
0x6a: {  	_ =	shalt  }
0x6b: {  	_ =	shalt  }
0x6c: {  	_ =	shalt  }
0x6d: {  	_ =	shalt  }
0x6e: {  	_ =	shalt  }
0x6f: {  	_ =	shalt  }
0x70: {  	_ =	shalt  }
0x71: {  	_ =	shalt  }
0x72: {  	_ =	shalt  }
0x73: {  	_ =	shalt  }
0x74: {  	_ =	shalt  }
0x75: {  	_ =	shalt  }
0x76: {  	_ =	shalt  }
0x77: {  	_ =	shalt  }
0x78: {  	_ =	shalt  }
0x79: {  	_ =	shalt  }
0x7a: {  	_ =	shalt  }
0x7b: {  	_ =	shalt  }
0x7c: {  	_ =	shalt  }
0x7d: {  	_ =	shalt  }
0x7e: {  	_ =	shalt  }
0x7f: {  	_ =	shalt  }
0x80: {  	_ =	shalt  }
0x81: {  	_ =	shalt  }
0x82: {  	_ =	shalt  }
0x83: {  	_ =	shalt  }
0x84: {  	_ =	shalt  }
0x85: {  	_ =	shalt  }
0x86: {  	_ =	shalt  }
0x87: {  	_ =	shalt  }
.Lfunc_end0:
.L_simem_size_0:
called_computation_lowered:
.L_overlay_start_0:
0x88: {  	s2 =	sld [smem:$0x3FD9]  }
0x89: {  	s3 =	sld [smem:$0x3FFE];
	_ =	sdelay $0x1  }
0x8a: {  	s1 =	srdreg.scid  }
0x8b: {  	s0 =	sand.u32 $0x1, s1  }
0x8c: {  	s17 =	sshll.u32 s0, $0xA;
	s2 =	sadd.s32 s3, s2  }
0x8d: {  	s2 =	sadd.s32 s2, s17  }
0x8e: {  	[smem:$0x3FC5] =	sst s2  }
0x8f: {  	_ = 	snop  }
0x90: {  	s2 =	sld [smem:$0x3FD0];
	(tm) =	ssettm $0x1  }
0x91: {  	s18 =	sld [smem:$0x3FFB];
	_ =	sdelay $0x3  }
0x92: {  	_ =	strace s18  }
0x93: {  	s3 =	sld [smem:$0x3FFC];
	_ =	sdelay $0x3  }
0x94: {  	_ =	strace s3  }
0x95: {  	s3 =	sld [smem:$0x3FFD];
	_ =	sdelay $0x3  }
0x96: {  	_ =	strace s3  }
0x97: {  	_ =	strace $0x8FFFFFFF  }
0x98: {  	s19 =	sld [smem:$0x3FDB];
	_ =	sdelay $0x1  }
0x99: {  	s4 =	simm.s32 $_scs_section_size  }
0x9a: {  	s5 =	simm.s32 $_size__tile_overlayer_lowered;
	s6 =	simm.s32 $_tile_overlayer_lowered  }
0x9b: {  	s22 =	simm.s32 $0x1BFF;
	s21 =	sshll.u32 s6, $0x1;
	s3 =	sadd.s32 s4, s19  }
0x9c: {  	s7 =	simm.s32 $0x0;
	s20 =	sshll.u32 s5, $0x1;
	s5 =	sadd.s32 s21, s3  }
0x9d: {  	[timem:s7], [sflag:s22] =	dma.local [hbm:s5], s20  }
0x9e: {  	_ =	swait.ge [sflag:s22], s20  }
0x9f: {  	s4 =	ssub.s32 $0x0, s20;
	[sflag:s22] =	ssyncset.done $0x0  }
0xa0: {  	[sflag:s22] =	ssyncadd.s32 s4;
	_ =	sdelay $0x1  }
0xa1: {  	s23 =	simm.s32 $0x1B8B  }
0xa2: {  	_ =	swait.ge [sflag:s23], $0x1  }
0xa3: {  	[sflag:s23] =	ssyncset.done $0x0  }
0xa4: {  	s25 =	simm.s32 $0x1B8E;
	s24 =	sld [smem:$0x3FFE];
	[sflag:s23] =	ssyncadd.s32 $0xFFFFFFFF  }
0xa5: {  	s26 =	simm.s32 $execute0_lowered;
	[smem:$0x3FD2] =	sst s25  }
0xa6: {  	s5 =	sshll.u32 s26, $0x1;
	_ =	strace $0x80000046;
	[dreg:$0x1] =	wrdreg $0xFFFFFFFF  }
0xa7: {  	s28 =	simm.s32 $_size_execute0_lowered;
	s3 =	sadd.s32 s3, s5;
	[dreg:$0x0] =	wrdreg $0x0  }
0xa8: {  	s5 =	sshll.u32 s28, $0x1;
	[dreg:$0x2] =	wrdreg s3  }
0xa9: {  	[dreg:$0x3] =	wrdreg s5  }
0xaa: {  	[dreg:$0x4] =	wrdreg $0xC0  }
0xab: {  	_ =	task [dreg:s7], $0x5FFFF  }
0xac: {  	[dreg:$0x1] =	wrdreg $0xFFFFFFFF  }
0xad: {  	[dreg:$0x0] =	wrdreg $0x60  }
0xae: {  	[dreg:$0x2] =	wrdreg s24  }
0xaf: {  	[dreg:$0x3] =	wrdreg s2  }
0xb0: {  	[dreg:$0x4] =	wrdreg $0x9  }
0xb1: {  	_ =	task.clear_ibuf [dreg:s7], $0x5FFFF;
	_ =	strace $0x90000046  }
0xb2: {  	s29 =	simm.s32 $0x9;
	_ =	strace $0x80000048  }
0xb3: {  	_ =	swait.ge [sflag:s29], $0x1  }
0xb4: {  	[sflag:s29] =	ssyncadd.s32 $0xFFFFFFFF  }
0xb5: {  	_ =	strace $0x90000048  }
0xb6: {  	_ =	sfence  }
0xb7: {  	s30 =	sld [smem:$0x0];
	_ =	sdelay $0x2  }
0xb8: {  	s31 =	sshll.u32 s1, $0xD;
	s1 =	sshrl.u32 s1, $0x2  }
0xb9: {  	s3 =	sand.u32 $0x4000, s31;
	s1 =	sadd.s32 s1, s30  }
0xba: {  	s0 =	sor.u32 s3, s0;
	s1 =	sshll.u32 s1, $0x11  }
0xbb: {  	s0 =	sor.u32 s1, s0  }
0xbc: {  	s0 =	sadd.s32 $0x8F2B, s0  }
0xbd: {  	[sflag:s0] =	ssyncadd.remote.s32 $0x1  }
0xbe: {  	_ =	sfence.sel $0xFFFF  }
0xbf: {  	[dreg:$0x0] =	wrdreg $0xFFFFFFFF;
	(pc) =	sbr.abs _section_cstart, $3  }
0xc0: {  	[dreg:$0x1] =	wrdreg $0xFFFFFFFF  }
0xc1: {  	_ =	task.clear_ibuf [dreg:s7], $0x2FFFF;
	_ =	strace $0x9FFFFFFF  }
0xc2: {  	(tm) =	ssettm $0x7FFFFFFF  }
0xc3: {  	_ =	shalt  }
tec
execute0_lowered:
.L_overlay_start_1:
0x0: {  	(tag) =	ssettag $0x1  }
0x1: {  	s1 =	srdreg.scid  }
0x2: {  	s0 =	stileid.u32;
	s25 =	sand.u32 $0x1, s1  }
0x3: {  	s10 =	rddreg [dreg:$0x0];
	s31 =	sshll.u32 s0, $0xA;
	s2 =	sshll.u32 s25, $0x9  }
0x4: {  	s24 =	rddreg [dreg:$0x1];
	s26 =	sor.u32 s2, s31  }
0x5: {  	s1 =	rddreg [dreg:$0x2];
	s2 =	simm.s32 $0x0;
	s3 =	sshrl.u32 s26, $0x3  }
0x6: {  	[smem:$0x7FF] =	sst s2;
	s5 =	sadd.s32 s3, s10  }
0x7: {  	_ =	strace $0x80000047;
	s3 =	simm.s32 $0x2;
	s4 =	sadd.s32 $0x1E00, s5  }
0x8: {  	[tilespmem:s2], [sflag:$0x2] =	stream.linear.gather [hbm4b:s4+s2], $0x200, $0x38;
	[tilespmem:$0x8400] =	vst v63  }
0x9: {  	_ =	swait.ge [sflag:s3], $0x200  }
0xa: {  	[sflag:s3] =	ssyncset.done $0x0  }
0xb: {  	s6 =	simm.s32 $0x200;
	s5 =	sadd.s32 $0x1600, s5;
	[sflag:s3] =	ssyncadd.s32 $0xFFFFFE00  }
0xc: {  	[tilespmem:s6], [sflag:$0x2] =	stream.linear.gather [hbm4b:s5+s2], $0x200, $0x38;
	[tilespmem:$0x8400] =	vst v63  }
0xd: {  	_ =	swait.ge [sflag:s3], $0x200  }
0xe: {  	s8 =	simm.s32 $0x80;
	[sflag:s3] =	ssyncset.done $0x0  }
0xf: {  	s9 =	simm.s32 $0x400;
	s7 =	sadd.s32 $0x188000, s10;
	[sflag:s3] =	ssyncadd.s32 $0xFFFFFE00  }
0x10: {  	[tilespmem:s9], [sflag:$0x1] =	stream.indirect.gather [hbm4b:s7+s8], $0x20, s2, s8, $0xb8;
	[tilespmem:$0x8400] =	vst v63  }
0x11: {  	s11 =	simm.s32 $0x4400;
	s10 =	sadd.s32 $0x1E9C00, s10  }
0x12: {  	[tilespmem:s11], [sflag:$0x1] =	stream.indirect.gather [hbm4b:s10+s8], $0x20, s6, s8, $0xb8;
	[tilespmem:$0x8400] =	vst v63  }
0x13: {  	s12 =	simm.s32 $0x1400  }
0x14: {  	[tilespmem:s12], [sflag:$0x1] =	stream.indirect.gather [hbm4b:s7+s8], $0x20, s8, s8, $0xb8;
	[tilespmem:$0x8400] =	vst v63  }
0x15: {  	s13 =	simm.s32 $0x280;
	s14 =	simm.s32 $0x5400  }
0x16: {  	[tilespmem:s14], [sflag:$0x1] =	stream.indirect.gather [hbm4b:s10+s8], $0x20, s13, s8, $0xb8;
	[tilespmem:$0x8400] =	vst v63  }
0x17: {  	s15 =	simm.s32 $0x100;
	s16 =	simm.s32 $0x2400  }
0x18: {  	[tilespmem:s16], [sflag:$0x1] =	stream.indirect.gather [hbm4b:s7+s8], $0x20, s15, s8, $0xb8;
	[tilespmem:$0x8400] =	vst v63  }
0x19: {  	s17 =	simm.s32 $0x300;
	s18 =	simm.s32 $0x6400  }
0x1a: {  	[tilespmem:s18], [sflag:$0x1] =	stream.indirect.gather [hbm4b:s10+s8], $0x20, s17, s8, $0xb8;
	[tilespmem:$0x8400] =	vst v63  }
0x1b: {  	s19 =	simm.s32 $0x180;
	s20 =	simm.s32 $0x3400  }
0x1c: {  	[tilespmem:s20], [sflag:$0x1] =	stream.indirect.gather [hbm4b:s7+s8], $0x20, s19, s8, $0xb8;
	[tilespmem:$0x8400] =	vst v63  }
0x1d: {  	s21 =	simm.s32 $0x380;
	s22 =	simm.s32 $0x7400;
	s23 =	simm.s32 $0x1  }
0x1e: {  	[tilespmem:s22], [sflag:$0x1] =	stream.indirect.gather [hbm4b:s10+s8], $0x20, s21, s8, $0xb8;
	[tilespmem:$0x8400] =	vst v63  }
0x1f: {  	_ =	swait.ge [sflag:s23], $0x1000  }
0x20: {  	[sflag:s23] =	ssyncset.done $0x0  }
0x21: {  	[sflag:s23] =	ssyncadd.s32 $0xFFFFF000  }
0x22: {  	_ =	swait.ge [sflag:s23], $0x1000  }
0x23: {  	[sflag:s23] =	ssyncset.done $0x0  }
0x24: {  	[sflag:s23] =	ssyncadd.s32 $0xFFFFF000  }
0x25: {  	_ =	swait.ge [sflag:s23], $0x1000  }
0x26: {  	[sflag:s23] =	ssyncset.done $0x0  }
0x27: {  	[sflag:s23] =	ssyncadd.s32 $0xFFFFF000  }
0x28: {  	_ =	swait.ge [sflag:s23], $0x1000  }
0x29: {  	[sflag:s23] =	ssyncset.done $0x0  }
0x2a: {  	[sflag:s23] =	ssyncadd.s32 $0xFFFFF000  }
0x2b: {  	_ =	swait.ge [sflag:s23], $0x1000  }
0x2c: {  	[sflag:s23] =	ssyncset.done $0x0  }
0x2d: {  	[sflag:s23] =	ssyncadd.s32 $0xFFFFF000  }
0x2e: {  	_ =	swait.ge [sflag:s23], $0x1000  }
0x2f: {  	[sflag:s23] =	ssyncset.done $0x0  }
0x30: {  	[sflag:s23] =	ssyncadd.s32 $0xFFFFF000  }
0x31: {  	_ =	swait.ge [sflag:s23], $0x1000  }
0x32: {  	[sflag:s23] =	ssyncset.done $0x0  }
0x33: {  	s28 =	ssub.s32 $0x2, s25;
	s25 =	simm.s32 $0x20;
	[sflag:s23] =	ssyncadd.s32 $0xFFFFF000  }
0x34: {  	s29 =	sshrl.u32 s28, $0x1;
	s26 =	sshll.u32 s26, $0x3;
	_ =	swait.ge [sflag:s23], $0x1000  }
0x35: {  	s28 =	ssub.s32 s28, s29;
	s24 =	sadd.s32 s24, s26;
	[sflag:s23] =	ssyncset.done $0x0  }
0x36: {  	s26 =	simm.s32 $0x40;
	s29 =	smax.u32 s28, $0x1;
	[sflag:s23] =	ssyncadd.s32 $0xFFFFF000  }
0x37: {  	[hbm4b:s24+s25] =	stream.strided.scatter [tilespmem:s9], [sflag:$0x2], $0x4000, s26, s25, $0x38;
	[tilespmem:$0x8400] =	vst v63  }
0x38: {  	p0 =	sne.s32 s29, $0x1;
	_ =	swait.ge [sflag:s3], $0x4000  }
.Ltmp0:
0x39: {  	[sflag:s3] =	ssyncset.done $0x0;
	(pc) =	sbr.rel @!p0 .LBB2_2-.Ltmp0, $4  }
0x3a: {  	s28 =	sadd.s32 $0x4, s24;
	[sflag:s3] =	ssyncadd.s32 $0xFFFFC000  }
0x3b: {  	[hbm4b:s28+s25] =	stream.strided.scatter [tilespmem:s11], [sflag:$0x2], $0x4000, s26, s25, $0x38;
	[tilespmem:$0x8400] =	vst v63  }
0x3c: {  	_ =	swait.ge [sflag:s3], $0x4000  }
0x3d: {  	s29 =	sadd.s32 $0xFFFFFFFF, s29;
	[sflag:s3] =	ssyncset.done $0x0  }
.LBB2_1:
0x3e: {  	p0 =	sne.s32 s29, $0x1;
	s29 =	sadd.s32 $0xFFFFFFFF, s29;
	[sflag:s3] =	ssyncadd.s32 $0xFFFFC000  }
0x3f: {  	[tilespmem:s2], [sflag:$0x2] =	stream.linear.gather [hbm4b:s4+s2], $0x200, $0x38;
	[tilespmem:$0x8400] =	vst v63  }
0x40: {  	_ =	swait.ge [sflag:s3], $0x200  }
0x41: {  	[sflag:s3] =	ssyncset.done $0x0  }
0x42: {  	[sflag:s3] =	ssyncadd.s32 $0xFFFFFE00  }
0x43: {  	[tilespmem:s6], [sflag:$0x2] =	stream.linear.gather [hbm4b:s5+s2], $0x200, $0x38;
	[tilespmem:$0x8400] =	vst v63  }
0x44: {  	_ =	swait.ge [sflag:s3], $0x200  }
0x45: {  	[sflag:s3] =	ssyncset.done $0x0  }
0x46: {  	[sflag:s3] =	ssyncadd.s32 $0xFFFFFE00  }
0x47: {  	[tilespmem:s9], [sflag:$0x1] =	stream.indirect.gather [hbm4b:s7+s8], $0x20, s2, s8, $0xb8;
	[tilespmem:$0x8400] =	vst v63  }
0x48: {  	_ = 	snop  }
0x49: {  	[tilespmem:s11], [sflag:$0x1] =	stream.indirect.gather [hbm4b:s10+s8], $0x20, s6, s8, $0xb8;
	[tilespmem:$0x8400] =	vst v63  }
0x4a: {  	_ = 	snop  }
0x4b: {  	[tilespmem:s12], [sflag:$0x1] =	stream.indirect.gather [hbm4b:s7+s8], $0x20, s8, s8, $0xb8;
	[tilespmem:$0x8400] =	vst v63  }
0x4c: {  	_ = 	snop  }
0x4d: {  	[tilespmem:s14], [sflag:$0x1] =	stream.indirect.gather [hbm4b:s10+s8], $0x20, s13, s8, $0xb8;
	[tilespmem:$0x8400] =	vst v63  }
0x4e: {  	_ = 	snop  }
0x4f: {  	[tilespmem:s16], [sflag:$0x1] =	stream.indirect.gather [hbm4b:s7+s8], $0x20, s15, s8, $0xb8;
	[tilespmem:$0x8400] =	vst v63  }
0x50: {  	_ = 	snop  }
0x51: {  	[tilespmem:s18], [sflag:$0x1] =	stream.indirect.gather [hbm4b:s10+s8], $0x20, s17, s8, $0xb8;
	[tilespmem:$0x8400] =	vst v63  }
0x52: {  	_ = 	snop  }
0x53: {  	[tilespmem:s20], [sflag:$0x1] =	stream.indirect.gather [hbm4b:s7+s8], $0x20, s19, s8, $0xb8;
	[tilespmem:$0x8400] =	vst v63  }
0x54: {  	_ = 	snop  }
0x55: {  	[tilespmem:s22], [sflag:$0x1] =	stream.indirect.gather [hbm4b:s10+s8], $0x20, s21, s8, $0xb8;
	[tilespmem:$0x8400] =	vst v63  }
0x56: {  	_ =	swait.ge [sflag:s23], $0x1000  }
0x57: {  	[sflag:s23] =	ssyncset.done $0x0  }
0x58: {  	[sflag:s23] =	ssyncadd.s32 $0xFFFFF000  }
0x59: {  	_ =	swait.ge [sflag:s23], $0x1000  }
0x5a: {  	[sflag:s23] =	ssyncset.done $0x0  }
0x5b: {  	[sflag:s23] =	ssyncadd.s32 $0xFFFFF000  }
0x5c: {  	_ =	swait.ge [sflag:s23], $0x1000  }
0x5d: {  	[sflag:s23] =	ssyncset.done $0x0  }
0x5e: {  	[sflag:s23] =	ssyncadd.s32 $0xFFFFF000  }
0x5f: {  	_ =	swait.ge [sflag:s23], $0x1000  }
0x60: {  	[sflag:s23] =	ssyncset.done $0x0  }
0x61: {  	[sflag:s23] =	ssyncadd.s32 $0xFFFFF000  }
0x62: {  	_ =	swait.ge [sflag:s23], $0x1000  }
0x63: {  	[sflag:s23] =	ssyncset.done $0x0  }
0x64: {  	[sflag:s23] =	ssyncadd.s32 $0xFFFFF000  }
0x65: {  	_ =	swait.ge [sflag:s23], $0x1000  }
0x66: {  	[sflag:s23] =	ssyncset.done $0x0  }
0x67: {  	[sflag:s23] =	ssyncadd.s32 $0xFFFFF000  }
0x68: {  	_ =	swait.ge [sflag:s23], $0x1000  }
0x69: {  	[sflag:s23] =	ssyncset.done $0x0  }
0x6a: {  	[sflag:s23] =	ssyncadd.s32 $0xFFFFF000  }
0x6b: {  	_ =	swait.ge [sflag:s23], $0x1000  }
0x6c: {  	[sflag:s23] =	ssyncset.done $0x0  }
0x6d: {  	[sflag:s23] =	ssyncadd.s32 $0xFFFFF000  }
0x6e: {  	[hbm4b:s24+s25] =	stream.strided.scatter [tilespmem:s9], [sflag:$0x2], $0x4000, s26, s25, $0x38;
	[tilespmem:$0x8400] =	vst v63  }
0x6f: {  	_ =	swait.ge [sflag:s3], $0x4000  }
.Ltmp1:
0x70: {  	[sflag:s3] =	ssyncset.done $0x0;
	(pc) =	sbr.rel @p0 .LBB2_1-.Ltmp1, $4  }
0x71: {  	[sflag:s3] =	ssyncadd.s32 $0xFFFFC000  }
0x72: {  	[hbm4b:s28+s25] =	stream.strided.scatter [tilespmem:s11], [sflag:$0x2], $0x4000, s26, s25, $0x38;
	[tilespmem:$0x8400] =	vst v63  }
0x73: {  	_ =	swait.ge [sflag:s3], $0x4000  }
0x74: {  	[sflag:s3] =	ssyncset.done $0x0  }
.LBB2_2:
0x75: {  	[sflag:s3] =	ssyncadd.s32 $0xFFFFC000  }
0x76: {  	_ =	sfence.sel $0x180000  }
0x77: {  	[bflag:$0x0] =	sbarrier.arrive $0xFFFF  }
0x78: {  	p0 =	sne.s32 s0, $0x0;
	_ =	strace $0x90000047  }
0x79: {  	s0 =	sadd.s32 @!p0 $0x100000, s1;
	[bflag:$0x2] =	sbarrier.arrive $0xFFFF  }
0x7a: {  	[sflag:s0] =	ssyncadd.tile.s32 @!p0 $0x1;
	_ =	shalt  }
.Lfunc_end2:
_tile_overlayer_lowered:
.L_overlay_start_2:
0x7b: {  	(tag) =	ssettag $0x2  }
0x7c: {  	s0 =	rddreg [dreg:$0x0];
	s2 =	stileid.u32  }
0x7d: {  	s1 =	rddreg [dreg:$0x1];
	p0 =	sne.s32 s2, $0x0  }
0x7e: {  	s3 =	rddreg [dreg:$0x2];
	[bflag:$0x3] =	sbarrier.arrive $0xFFFF;
	s2 =	simm.s32 @!p0 $0x1C02  }
0x7f: {  	[timem:s3], [sflag:s2] =	dma.local @!p0 [hbm:s0], s1  }
0x80: {  	s0 =	simm.s32 @!p0 $0x2  }
0x81: {  	_ =	swait.ge @!p0 [sflag:s0], s1  }
0x82: {  	s1 =	ssub.s32 @!p0 $0x0, s1;
	[sflag:s0] =	ssyncset.done @!p0 $0x0  }
0x83: {  	[sflag:s0] =	ssyncadd.s32 @!p0 s1  }
0x84: {  	[bflag:$0x3] =	sbarrier.arrive $0xFFFF  }
0x85: {  	_ =	shalt  }

</sc_bundles>
